<compile_context>
chip_gen: v7x
topology: tpu7x:2x2x1
jax: 0.10.2.dev20260603
libtpu: 0.0.44.dev20260713+nightly
codegen_flags: <defaults>
</compile_context>

<pallas_src>
import jax
import jax.numpy as jnp
from jax import lax
from jax.experimental import pallas as pl
from jax.experimental.pallas import tpu as pltpu
from jax.experimental.pallas import tpu_sc as plsc

FEATURE = 1000000
FEATURE_PAD = 1000448
BATCH = 16384
N_FIELDS = 26
NUM_CORES = 2
NUM_SUBCORES = 16
NUM_WORKERS = NUM_CORES * NUM_SUBCORES
ROWS_PER_W = BATCH // NUM_WORKERS
IDX_PER_W = ROWS_PER_W * N_FIELDS
LANES = 16


def _sc_body(w_hbm, idx_hbm, out_hbm, idx_v, rows_v, out_v, s0, s1, s2, s3, gsem):
    wid = lax.axis_index("s") * NUM_CORES + lax.axis_index("c")
    base_o = wid * ROWS_PER_W

    sems = (s0, s1, s2, s3)
    lens = (4096, 4096, 4096, 1024)
    copies = [
        pltpu.async_copy(
            idx_hbm.at[pl.ds((g * NUM_WORKERS + wid) * 4096, lens[g])],
            idx_v.at[pl.ds(g * 4096, lens[g])],
            sems[g],
        )
        for g in range(4)
    ]
    gathers = []
    for g in range(4):
        copies[g].wait()
        gathers.append(
            pltpu.async_copy(
                w_hbm.at[idx_v.at[pl.ds(g * 4096, lens[g])]],
                rows_v.at[pl.ds(g * 4096, lens[g])],
                gsem,
            )
        )
    for g in range(4):
        gathers[g].wait()
        nf = 8 if g < 3 else 2

        @pl.loop(0, ROWS_PER_W // LANES)
        def _chunk(i, g=g, nf=nf):
            b = i * LANES
            acc = rows_v[pl.ds(g * 4096 + b, LANES)]
            for f in range(1, nf):
                acc = acc + rows_v[pl.ds(g * 4096 + f * ROWS_PER_W + b, LANES)]
            if g:
                acc = acc + out_v[pl.ds(b, LANES)]
            out_v[pl.ds(b, LANES)] = acc

    pltpu.sync_copy(out_v, out_hbm.at[pl.ds(base_o, ROWS_PER_W)])


@jax.jit
def kernel(inputs, w):
    idx_flat = (
        jnp.pad(inputs.astype(jnp.int32).T, ((0, 6), (0, 0)))
        .reshape(4, 8, NUM_WORKERS, ROWS_PER_W)
        .transpose(0, 2, 1, 3)
        .reshape(-1)
    )
    w_flat = jnp.pad(w, ((0, FEATURE_PAD - FEATURE), (0, 0))).reshape(-1)
    mesh = plsc.VectorSubcoreMesh(core_axis_name="c", subcore_axis_name="s")
    out = pl.kernel(
        _sc_body,
        out_type=jax.ShapeDtypeStruct((BATCH,), jnp.float32),
        mesh=mesh,
        scratch_types=[
            pltpu.VMEM((IDX_PER_W,), jnp.int32),
            pltpu.VMEM((IDX_PER_W,), jnp.float32),
            pltpu.VMEM((ROWS_PER_W,), jnp.float32),
            pltpu.SemaphoreType.DMA,
            pltpu.SemaphoreType.DMA,
            pltpu.SemaphoreType.DMA,
            pltpu.SemaphoreType.DMA,
            pltpu.SemaphoreType.DMA,
        ],
    )(w_flat, idx_flat)
    return out.reshape(BATCH, 1)

# --- scband reference (transcript-rebuilt; emitter-appended) ---
"""Pipeline reference for scband-linear-31593779430065 (READ-ONLY COPY).

The authoritative reference and input builder live on the scoring server;
editing this copy changes nothing except your own understanding.
"""

import jax, jax.numpy as jnp
import numpy as np

FEATURE_LENGTH = 1000000
BATCH = 16384
N_FIELDS = 26

def setup_inputs(seed: int = 0) -> dict:
    key = jax.random.key(seed)
    k_idx, k_w = jax.random.split(key)
    inputs = jax.random.randint(k_idx, (BATCH, N_FIELDS), 0, FEATURE_LENGTH, dtype=jnp.int64 if jax.config.jax_enable_x64 else jnp.int32)
    # learned parameter w: (feature_length, 1), glorot-uniform-like init as Keras default
    limit = np.sqrt(6.0 / (FEATURE_LENGTH + 1))
    w = jax.random.uniform(k_w, (FEATURE_LENGTH, 1), minval=-limit, maxval=limit, dtype=jnp.float32)
    return {"inputs": inputs, "w": w}

def reference(inputs, w):
    # tf.nn.embedding_lookup(w, inputs) -> [B, n_fields, 1]; reduce_sum over axis=1 -> [B, 1]
    gathered = jnp.take(w, inputs, axis=0)
    result = jnp.sum(gathered, axis=1)
    return result

if __name__ == "__main__":
    import jax
    _d = setup_inputs()
    print(jax.jit(kernel)(*tuple(_d.values())))

</pallas_src>

<mosaic_0001>
#map = affine_map<(d0, d1) -> (0)>
module attributes {stable_mosaic.version = 14 : i64} {
  func.func @_sc_body(%arg0: i32, %arg1: i32, %arg2: memref<1000448xf32, #tpu.memory_space<hbm>>, %arg3: memref<524288xi32, #tpu.memory_space<hbm>>, %arg4: memref<16384xf32, #tpu.memory_space<hbm>>, %arg5: memref<13312xi32, #tpu.memory_space<vmem>>, %arg6: memref<13312xf32, #tpu.memory_space<vmem>>, %arg7: memref<512xf32, #tpu.memory_space<vmem>>, %arg8: memref<!tpu.dma_semaphore, #tpu.memory_space<semaphore_mem>>, %arg9: memref<!tpu.dma_semaphore, #tpu.memory_space<semaphore_mem>>, %arg10: memref<!tpu.dma_semaphore, #tpu.memory_space<semaphore_mem>>, %arg11: memref<!tpu.dma_semaphore, #tpu.memory_space<semaphore_mem>>, %arg12: memref<!tpu.dma_semaphore, #tpu.memory_space<semaphore_mem>>) attributes {dimension_semantics = [#tpu.dimension_semantics<core_parallel>, #tpu.dimension_semantics<subcore_parallel>], iteration_bounds = array<i64: 2, 16>, scalar_prefetch = 0 : i64, scratch_operands = 8 : i64, tpu.core_type = #tpu.core_type<sc_vector_subcore>, window_params = [{transform_indices = #map}, {transform_indices = #map}, {transform_indices = #map}]} {
    %mul3A = arith.constant 2 : i32
    %mul3A_0 = arith.muli %arg1, %mul3A : i32
    %add3A = arith.addi %mul3A_0, %arg0 : i32
    %mul3A_1 = arith.constant 512 : i32
    %mul3A_2 = arith.muli %add3A, %mul3A_1 : i32
    %add3A_3 = arith.constant 0 : i32
    %add3A_4 = arith.addi %add3A_3, %add3A : i32
    %mul3A_5 = arith.constant 4096 : i32
    %mul3A_6 = arith.muli %add3A_4, %mul3A_5 : i32
    %dma_start3A = arith.constant 0 : i32
    %dma_start3A_7 = tpu.memref_slice %arg5[%dma_start3A] : memref<13312xi32, #tpu.memory_space<vmem>> -> memref<4096xi32, #tpu.memory_space<vmem>>
    %dma_start3A_8 = tpu.memref_slice %arg3[%mul3A_6] : memref<524288xi32, #tpu.memory_space<hbm>> -> memref<4096xi32, #tpu.memory_space<hbm>>
    %dma_start3A_9 = arith.constant 0 : i32
    %dma_start3A_10 = tpu.memref_slice %arg5[%dma_start3A_9] : memref<13312xi32, #tpu.memory_space<vmem>> -> memref<4096xi32, #tpu.memory_space<vmem>>
    %dma_start3A_11 = tpu.memref_slice %arg3[%mul3A_6] : memref<524288xi32, #tpu.memory_space<hbm>> -> memref<4096xi32, #tpu.memory_space<hbm>>
    tpu.enqueue_dma source(%dma_start3A_11 : memref<4096xi32, #tpu.memory_space<hbm>>) target(%dma_start3A_10 : memref<4096xi32, #tpu.memory_space<vmem>>) target_semaphore(%arg8 : memref<!tpu.dma_semaphore, #tpu.memory_space<semaphore_mem>>)
    %add3A_12 = arith.constant 32 : i32
    %add3A_13 = arith.addi %add3A_12, %add3A : i32
    %mul3A_14 = arith.constant 4096 : i32
    %mul3A_15 = arith.muli %add3A_13, %mul3A_14 : i32
    %dma_start3A_16 = arith.constant 4096 : i32
    %dma_start3A_17 = tpu.memref_slice %arg5[%dma_start3A_16] : memref<13312xi32, #tpu.memory_space<vmem>> -> memref<4096xi32, #tpu.memory_space<vmem>>
    %dma_start3A_18 = tpu.memref_slice %arg3[%mul3A_15] : memref<524288xi32, #tpu.memory_space<hbm>> -> memref<4096xi32, #tpu.memory_space<hbm>>
    %dma_start3A_19 = arith.constant 4096 : i32
    %dma_start3A_20 = tpu.memref_slice %arg5[%dma_start3A_19] : memref<13312xi32, #tpu.memory_space<vmem>> -> memref<4096xi32, #tpu.memory_space<vmem>>
    %dma_start3A_21 = tpu.memref_slice %arg3[%mul3A_15] : memref<524288xi32, #tpu.memory_space<hbm>> -> memref<4096xi32, #tpu.memory_space<hbm>>
    tpu.enqueue_dma source(%dma_start3A_21 : memref<4096xi32, #tpu.memory_space<hbm>>) target(%dma_start3A_20 : memref<4096xi32, #tpu.memory_space<vmem>>) target_semaphore(%arg9 : memref<!tpu.dma_semaphore, #tpu.memory_space<semaphore_mem>>)
    %add3A_22 = arith.constant 64 : i32
    %add3A_23 = arith.addi %add3A_22, %add3A : i32
    %mul3A_24 = arith.constant 4096 : i32
    %mul3A_25 = arith.muli %add3A_23, %mul3A_24 : i32
    %dma_start3A_26 = arith.constant 8192 : i32
    %dma_start3A_27 = tpu.memref_slice %arg5[%dma_start3A_26] : memref<13312xi32, #tpu.memory_space<vmem>> -> memref<4096xi32, #tpu.memory_space<vmem>>
    %dma_start3A_28 = tpu.memref_slice %arg3[%mul3A_25] : memref<524288xi32, #tpu.memory_space<hbm>> -> memref<4096xi32, #tpu.memory_space<hbm>>
    %dma_start3A_29 = arith.constant 8192 : i32
    %dma_start3A_30 = tpu.memref_slice %arg5[%dma_start3A_29] : memref<13312xi32, #tpu.memory_space<vmem>> -> memref<4096xi32, #tpu.memory_space<vmem>>
    %dma_start3A_31 = tpu.memref_slice %arg3[%mul3A_25] : memref<524288xi32, #tpu.memory_space<hbm>> -> memref<4096xi32, #tpu.memory_space<hbm>>
    tpu.enqueue_dma source(%dma_start3A_31 : memref<4096xi32, #tpu.memory_space<hbm>>) target(%dma_start3A_30 : memref<4096xi32, #tpu.memory_space<vmem>>) target_semaphore(%arg10 : memref<!tpu.dma_semaphore, #tpu.memory_space<semaphore_mem>>)
    %add3A_32 = arith.constant 96 : i32
    %add3A_33 = arith.addi %add3A_32, %add3A : i32
    %mul3A_34 = arith.constant 4096 : i32
    %mul3A_35 = arith.muli %add3A_33, %mul3A_34 : i32
    %dma_start3A_36 = arith.constant 12288 : i32
    %dma_start3A_37 = tpu.memref_slice %arg5[%dma_start3A_36] : memref<13312xi32, #tpu.memory_space<vmem>> -> memref<1024xi32, #tpu.memory_space<vmem>>
    %dma_start3A_38 = tpu.memref_slice %arg3[%mul3A_35] : memref<524288xi32, #tpu.memory_space<hbm>> -> memref<1024xi32, #tpu.memory_space<hbm>>
    %dma_start3A_39 = arith.constant 12288 : i32
    %dma_start3A_40 = tpu.memref_slice %arg5[%dma_start3A_39] : memref<13312xi32, #tpu.memory_space<vmem>> -> memref<1024xi32, #tpu.memory_space<vmem>>
    %dma_start3A_41 = tpu.memref_slice %arg3[%mul3A_35] : memref<524288xi32, #tpu.memory_space<hbm>> -> memref<1024xi32, #tpu.memory_space<hbm>>
    tpu.enqueue_dma source(%dma_start3A_41 : memref<1024xi32, #tpu.memory_space<hbm>>) target(%dma_start3A_40 : memref<1024xi32, #tpu.memory_space<vmem>>) target_semaphore(%arg11 : memref<!tpu.dma_semaphore, #tpu.memory_space<semaphore_mem>>)
    %dma_wait3A = arith.constant 0 : i32
    %dma_wait3A_42 = tpu.memref_slice %arg5[%dma_wait3A] : memref<13312xi32, #tpu.memory_space<vmem>> -> memref<4096xi32, #tpu.memory_space<vmem>>
    %dma_wait3A_43 = tpu.memref_slice %arg3[%mul3A_6] : memref<524288xi32, #tpu.memory_space<hbm>> -> memref<4096xi32, #tpu.memory_space<hbm>>
    %dma_wait3A_44 = arith.constant 0 : i32
    %dma_wait3A_45 = tpu.memref_slice %arg5[%dma_wait3A_44] : memref<13312xi32, #tpu.memory_space<vmem>> -> memref<4096xi32, #tpu.memory_space<vmem>>
    %dma_wait3A_46 = tpu.memref_slice %arg3[%mul3A_6] : memref<524288xi32, #tpu.memory_space<hbm>> -> memref<4096xi32, #tpu.memory_space<hbm>>
    tpu.wait_dma2 semaphore(%arg8 : memref<!tpu.dma_semaphore, #tpu.memory_space<semaphore_mem>>) src(%dma_wait3A_46 : memref<4096xi32, #tpu.memory_space<hbm>>) dst(%dma_wait3A_45 : memref<4096xi32, #tpu.memory_space<vmem>>)
    %dma_start3A_47 = arith.constant 0 : i32
    %dma_start3A_48 = tpu.memref_slice %arg6[%dma_start3A_47] : memref<13312xf32, #tpu.memory_space<vmem>> -> memref<4096xf32, #tpu.memory_space<vmem>>
    %dma_start3A_49 = arith.constant 0 : i32
    %dma_start3A_50 = tpu.memref_slice %arg5[%dma_start3A_49] : memref<13312xi32, #tpu.memory_space<vmem>> -> memref<4096xi32, #tpu.memory_space<vmem>>
    %dma_start3A_51 = arith.constant 0 : i32
    %dma_start3A_52 = tpu.memref_slice %arg2[%dma_start3A_51] : memref<1000448xf32, #tpu.memory_space<hbm>> -> memref<1000448xf32, #tpu.memory_space<hbm>>
    tpu.enqueue_indirect_dma source(%dma_start3A_52 : memref<1000448xf32, #tpu.memory_space<hbm>>) target(%dma_start3A_48 : memref<4096xf32, #tpu.memory_space<vmem>>) offsets(%dma_start3A_50 : memref<4096xi32, #tpu.memory_space<vmem>>) semaphore(%arg12 : memref<!tpu.dma_semaphore, #tpu.memory_space<semaphore_mem>>)
    %dma_wait3A_53 = arith.constant 4096 : i32
    %dma_wait3A_54 = tpu.memref_slice %arg5[%dma_wait3A_53] : memref<13312xi32, #tpu.memory_space<vmem>> -> memref<4096xi32, #tpu.memory_space<vmem>>
    %dma_wait3A_55 = tpu.memref_slice %arg3[%mul3A_15] : memref<524288xi32, #tpu.memory_space<hbm>> -> memref<4096xi32, #tpu.memory_space<hbm>>
    %dma_wait3A_56 = arith.constant 4096 : i32
    %dma_wait3A_57 = tpu.memref_slice %arg5[%dma_wait3A_56] : memref<13312xi32, #tpu.memory_space<vmem>> -> memref<4096xi32, #tpu.memory_space<vmem>>
    %dma_wait3A_58 = tpu.memref_slice %arg3[%mul3A_15] : memref<524288xi32, #tpu.memory_space<hbm>> -> memref<4096xi32, #tpu.memory_space<hbm>>
    tpu.wait_dma2 semaphore(%arg9 : memref<!tpu.dma_semaphore, #tpu.memory_space<semaphore_mem>>) src(%dma_wait3A_58 : memref<4096xi32, #tpu.memory_space<hbm>>) dst(%dma_wait3A_57 : memref<4096xi32, #tpu.memory_space<vmem>>)
    %dma_start3A_59 = arith.constant 4096 : i32
    %dma_start3A_60 = tpu.memref_slice %arg6[%dma_start3A_59] : memref<13312xf32, #tpu.memory_space<vmem>> -> memref<4096xf32, #tpu.memory_space<vmem>>
    %dma_start3A_61 = arith.constant 4096 : i32
    %dma_start3A_62 = tpu.memref_slice %arg5[%dma_start3A_61] : memref<13312xi32, #tpu.memory_space<vmem>> -> memref<4096xi32, #tpu.memory_space<vmem>>
    %dma_start3A_63 = arith.constant 0 : i32
    %dma_start3A_64 = tpu.memref_slice %arg2[%dma_start3A_63] : memref<1000448xf32, #tpu.memory_space<hbm>> -> memref<1000448xf32, #tpu.memory_space<hbm>>
    tpu.enqueue_indirect_dma source(%dma_start3A_64 : memref<1000448xf32, #tpu.memory_space<hbm>>) target(%dma_start3A_60 : memref<4096xf32, #tpu.memory_space<vmem>>) offsets(%dma_start3A_62 : memref<4096xi32, #tpu.memory_space<vmem>>) semaphore(%arg12 : memref<!tpu.dma_semaphore, #tpu.memory_space<semaphore_mem>>)
    %dma_wait3A_65 = arith.constant 8192 : i32
    %dma_wait3A_66 = tpu.memref_slice %arg5[%dma_wait3A_65] : memref<13312xi32, #tpu.memory_space<vmem>> -> memref<4096xi32, #tpu.memory_space<vmem>>
    %dma_wait3A_67 = tpu.memref_slice %arg3[%mul3A_25] : memref<524288xi32, #tpu.memory_space<hbm>> -> memref<4096xi32, #tpu.memory_space<hbm>>
    %dma_wait3A_68 = arith.constant 8192 : i32
    %dma_wait3A_69 = tpu.memref_slice %arg5[%dma_wait3A_68] : memref<13312xi32, #tpu.memory_space<vmem>> -> memref<4096xi32, #tpu.memory_space<vmem>>
    %dma_wait3A_70 = tpu.memref_slice %arg3[%mul3A_25] : memref<524288xi32, #tpu.memory_space<hbm>> -> memref<4096xi32, #tpu.memory_space<hbm>>
    tpu.wait_dma2 semaphore(%arg10 : memref<!tpu.dma_semaphore, #tpu.memory_space<semaphore_mem>>) src(%dma_wait3A_70 : memref<4096xi32, #tpu.memory_space<hbm>>) dst(%dma_wait3A_69 : memref<4096xi32, #tpu.memory_space<vmem>>)
    %dma_start3A_71 = arith.constant 8192 : i32
    %dma_start3A_72 = tpu.memref_slice %arg6[%dma_start3A_71] : memref<13312xf32, #tpu.memory_space<vmem>> -> memref<4096xf32, #tpu.memory_space<vmem>>
    %dma_start3A_73 = arith.constant 8192 : i32
    %dma_start3A_74 = tpu.memref_slice %arg5[%dma_start3A_73] : memref<13312xi32, #tpu.memory_space<vmem>> -> memref<4096xi32, #tpu.memory_space<vmem>>
    %dma_start3A_75 = arith.constant 0 : i32
    %dma_start3A_76 = tpu.memref_slice %arg2[%dma_start3A_75] : memref<1000448xf32, #tpu.memory_space<hbm>> -> memref<1000448xf32, #tpu.memory_space<hbm>>
    tpu.enqueue_indirect_dma source(%dma_start3A_76 : memref<1000448xf32, #tpu.memory_space<hbm>>) target(%dma_start3A_72 : memref<4096xf32, #tpu.memory_space<vmem>>) offsets(%dma_start3A_74 : memref<4096xi32, #tpu.memory_space<vmem>>) semaphore(%arg12 : memref<!tpu.dma_semaphore, #tpu.memory_space<semaphore_mem>>)
    %dma_wait3A_77 = arith.constant 12288 : i32
    %dma_wait3A_78 = tpu.memref_slice %arg5[%dma_wait3A_77] : memref<13312xi32, #tpu.memory_space<vmem>> -> memref<1024xi32, #tpu.memory_space<vmem>>
    %dma_wait3A_79 = tpu.memref_slice %arg3[%mul3A_35] : memref<524288xi32, #tpu.memory_space<hbm>> -> memref<1024xi32, #tpu.memory_space<hbm>>
    %dma_wait3A_80 = arith.constant 12288 : i32
    %dma_wait3A_81 = tpu.memref_slice %arg5[%dma_wait3A_80] : memref<13312xi32, #tpu.memory_space<vmem>> -> memref<1024xi32, #tpu.memory_space<vmem>>
    %dma_wait3A_82 = tpu.memref_slice %arg3[%mul3A_35] : memref<524288xi32, #tpu.memory_space<hbm>> -> memref<1024xi32, #tpu.memory_space<hbm>>
    tpu.wait_dma2 semaphore(%arg11 : memref<!tpu.dma_semaphore, #tpu.memory_space<semaphore_mem>>) src(%dma_wait3A_82 : memref<1024xi32, #tpu.memory_space<hbm>>) dst(%dma_wait3A_81 : memref<1024xi32, #tpu.memory_space<vmem>>)
    %dma_start3A_83 = arith.constant 12288 : i32
    %dma_start3A_84 = tpu.memref_slice %arg6[%dma_start3A_83] : memref<13312xf32, #tpu.memory_space<vmem>> -> memref<1024xf32, #tpu.memory_space<vmem>>
    %dma_start3A_85 = arith.constant 12288 : i32
    %dma_start3A_86 = tpu.memref_slice %arg5[%dma_start3A_85] : memref<13312xi32, #tpu.memory_space<vmem>> -> memref<1024xi32, #tpu.memory_space<vmem>>
    %dma_start3A_87 = arith.constant 0 : i32
    %dma_start3A_88 = tpu.memref_slice %arg2[%dma_start3A_87] : memref<1000448xf32, #tpu.memory_space<hbm>> -> memref<1000448xf32, #tpu.memory_space<hbm>>
    tpu.enqueue_indirect_dma source(%dma_start3A_88 : memref<1000448xf32, #tpu.memory_space<hbm>>) target(%dma_start3A_84 : memref<1024xf32, #tpu.memory_space<vmem>>) offsets(%dma_start3A_86 : memref<1024xi32, #tpu.memory_space<vmem>>) semaphore(%arg12 : memref<!tpu.dma_semaphore, #tpu.memory_space<semaphore_mem>>)
    %dma_wait3A_89 = arith.constant 0 : i32
    %dma_wait3A_90 = tpu.memref_slice %arg6[%dma_wait3A_89] : memref<13312xf32, #tpu.memory_space<vmem>> -> memref<4096xf32, #tpu.memory_space<vmem>>
    %dma_wait3A_91 = arith.constant 0 : i32
    %dma_wait3A_92 = tpu.memref_slice %arg5[%dma_wait3A_91] : memref<13312xi32, #tpu.memory_space<vmem>> -> memref<4096xi32, #tpu.memory_space<vmem>>
    %dma_wait3A_93 = arith.constant 0 : i32
    %dma_wait3A_94 = tpu.memref_slice %arg2[%dma_wait3A_93] : memref<1000448xf32, #tpu.memory_space<hbm>> -> memref<1000448xf32, #tpu.memory_space<hbm>>
    tpu.wait_indirect_dma semaphore(%arg12 : memref<!tpu.dma_semaphore, #tpu.memory_space<semaphore_mem>>) src(%dma_wait3A_94 : memref<1000448xf32, #tpu.memory_space<hbm>>) dst(%dma_wait3A_90 : memref<4096xf32, #tpu.memory_space<vmem>>)
    %scan3A = arith.constant 0 : i32
    %scan3A_95 = arith.constant 32 : i32
    %scan3A_96 = arith.addi %scan3A, %scan3A_95 : i32
    %scan3A_97 = arith.constant 1 : i32
    scf.for %scan3A_132 = %scan3A to %scan3A_96 step %scan3A_97  : i32 {
      %mul3A_133 = arith.constant 1 : i32
      %mul3A_134 = arith.muli %scan3A_132, %mul3A_133 : i32
      %add3A_135 = arith.constant 0 : i32
      %add3A_136 = arith.addi %add3A_135, %mul3A_134 : i32
      %mul3A_137 = arith.constant 16 : i32
      %mul3A_138 = arith.muli %add3A_136, %mul3A_137 : i32
      %add3A_139 = arith.constant 0 : i32
      %add3A_140 = arith.addi %add3A_139, %mul3A_138 : i32
      %get3A = arith.index_cast %add3A_140 : i32 to index
      %get3A_141 = tpu.vector_load %arg6[%get3A] {strides = array<i32>} : memref<13312xf32, #tpu.memory_space<vmem>>, vector<16xf32>,
      %get3A_142 = vector.shape_cast %get3A_141 : vector<16xf32> to vector<16xf32>
      %add3A_143 = arith.constant 512 : i32
      %add3A_144 = arith.addi %add3A_143, %mul3A_138 : i32
      %get3A_145 = arith.index_cast %add3A_144 : i32 to index
      %get3A_146 = tpu.vector_load %arg6[%get3A_145] {strides = array<i32>} : memref<13312xf32, #tpu.memory_space<vmem>>, vector<16xf32>,
      %get3A_147 = vector.shape_cast %get3A_146 : vector<16xf32> to vector<16xf32>
      %add3A_148 = arith.addf %get3A_142, %get3A_147 : vector<16xf32>
      %add3A_149 = arith.constant 1024 : i32
      %add3A_150 = arith.addi %add3A_149, %mul3A_138 : i32
      %get3A_151 = arith.index_cast %add3A_150 : i32 to index
      %get3A_152 = tpu.vector_load %arg6[%get3A_151] {strides = array<i32>} : memref<13312xf32, #tpu.memory_space<vmem>>, vector<16xf32>,
      %get3A_153 = vector.shape_cast %get3A_152 : vector<16xf32> to vector<16xf32>
      %add3A_154 = arith.addf %add3A_148, %get3A_153 : vector<16xf32>
      %add3A_155 = arith.constant 1536 : i32
      %add3A_156 = arith.addi %add3A_155, %mul3A_138 : i32
      %get3A_157 = arith.index_cast %add3A_156 : i32 to index
      %get3A_158 = tpu.vector_load %arg6[%get3A_157] {strides = array<i32>} : memref<13312xf32, #tpu.memory_space<vmem>>, vector<16xf32>,
      %get3A_159 = vector.shape_cast %get3A_158 : vector<16xf32> to vector<16xf32>
      %add3A_160 = arith.addf %add3A_154, %get3A_159 : vector<16xf32>
      %add3A_161 = arith.constant 2048 : i32
      %add3A_162 = arith.addi %add3A_161, %mul3A_138 : i32
      %get3A_163 = arith.index_cast %add3A_162 : i32 to index
      %get3A_164 = tpu.vector_load %arg6[%get3A_163] {strides = array<i32>} : memref<13312xf32, #tpu.memory_space<vmem>>, vector<16xf32>,
      %get3A_165 = vector.shape_cast %get3A_164 : vector<16xf32> to vector<16xf32>
      %add3A_166 = arith.addf %add3A_160, %get3A_165 : vector<16xf32>
      %add3A_167 = arith.constant 2560 : i32
      %add3A_168 = arith.addi %add3A_167, %mul3A_138 : i32
      %get3A_169 = arith.index_cast %add3A_168 : i32 to index
      %get3A_170 = tpu.vector_load %arg6[%get3A_169] {strides = array<i32>} : memref<13312xf32, #tpu.memory_space<vmem>>, vector<16xf32>,
      %get3A_171 = vector.shape_cast %get3A_170 : vector<16xf32> to vector<16xf32>
      %add3A_172 = arith.addf %add3A_166, %get3A_171 : vector<16xf32>
      %add3A_173 = arith.constant 3072 : i32
      %add3A_174 = arith.addi %add3A_173, %mul3A_138 : i32
      %get3A_175 = arith.index_cast %add3A_174 : i32 to index
      %get3A_176 = tpu.vector_load %arg6[%get3A_175] {strides = array<i32>} : memref<13312xf32, #tpu.memory_space<vmem>>, vector<16xf32>,
      %get3A_177 = vector.shape_cast %get3A_176 : vector<16xf32> to vector<16xf32>
      %add3A_178 = arith.addf %add3A_172, %get3A_177 : vector<16xf32>
      %add3A_179 = arith.constant 3584 : i32
      %add3A_180 = arith.addi %add3A_179, %mul3A_138 : i32
      %get3A_181 = arith.index_cast %add3A_180 : i32 to index
      %get3A_182 = tpu.vector_load %arg6[%get3A_181] {strides = array<i32>} : memref<13312xf32, #tpu.memory_space<vmem>>, vector<16xf32>,
      %get3A_183 = vector.shape_cast %get3A_182 : vector<16xf32> to vector<16xf32>
      %add3A_184 = arith.addf %add3A_178, %get3A_183 : vector<16xf32>
      %swap3A = arith.index_cast %mul3A_138 : i32 to index
      %swap3A_185 = tpu.vector_load %arg7[%swap3A] {strides = array<i32>} : memref<512xf32, #tpu.memory_space<vmem>>, vector<16xf32>,
      %swap3A_186 = vector.shape_cast %swap3A_185 : vector<16xf32> to vector<16xf32>
      %swap3A_187 = vector.shape_cast %add3A_184 : vector<16xf32> to vector<16xf32>
      tpu.vector_store %arg7[%swap3A], %swap3A_187 {strides = array<i32>} : memref<512xf32, #tpu.memory_space<vmem>>, vector<16xf32>,
    }
    %scan3A_98 = arith.constant 32 : i32
    %dma_wait3A_99 = arith.constant 4096 : i32
    %dma_wait3A_100 = tpu.memref_slice %arg6[%dma_wait3A_99] : memref<13312xf32, #tpu.memory_space<vmem>> -> memref<4096xf32, #tpu.memory_space<vmem>>
    %dma_wait3A_101 = arith.constant 4096 : i32
    %dma_wait3A_102 = tpu.memref_slice %arg5[%dma_wait3A_101] : memref<13312xi32, #tpu.memory_space<vmem>> -> memref<4096xi32, #tpu.memory_space<vmem>>
    %dma_wait3A_103 = arith.constant 0 : i32
    %dma_wait3A_104 = tpu.memref_slice %arg2[%dma_wait3A_103] : memref<1000448xf32, #tpu.memory_space<hbm>> -> memref<1000448xf32, #tpu.memory_space<hbm>>
    tpu.wait_indirect_dma semaphore(%arg12 : memref<!tpu.dma_semaphore, #tpu.memory_space<semaphore_mem>>) src(%dma_wait3A_104 : memref<1000448xf32, #tpu.memory_space<hbm>>) dst(%dma_wait3A_100 : memref<4096xf32, #tpu.memory_space<vmem>>)
    %scan3A_105 = arith.constant 0 : i32
    %scan3A_106 = arith.constant 32 : i32
    %scan3A_107 = arith.addi %scan3A_105, %scan3A_106 : i32
    %scan3A_108 = arith.constant 1 : i32
    scf.for %scan3A_132 = %scan3A_105 to %scan3A_107 step %scan3A_108  : i32 {
      %mul3A_133 = arith.constant 1 : i32
      %mul3A_134 = arith.muli %scan3A_132, %mul3A_133 : i32
      %add3A_135 = arith.constant 0 : i32
      %add3A_136 = arith.addi %add3A_135, %mul3A_134 : i32
      %mul3A_137 = arith.constant 16 : i32
      %mul3A_138 = arith.muli %add3A_136, %mul3A_137 : i32
      %add3A_139 = arith.constant 4096 : i32
      %add3A_140 = arith.addi %add3A_139, %mul3A_138 : i32
      %get3A = arith.index_cast %add3A_140 : i32 to index
      %get3A_141 = tpu.vector_load %arg6[%get3A] {strides = array<i32>} : memref<13312xf32, #tpu.memory_space<vmem>>, vector<16xf32>,
      %get3A_142 = vector.shape_cast %get3A_141 : vector<16xf32> to vector<16xf32>
      %add3A_143 = arith.constant 4608 : i32
      %add3A_144 = arith.addi %add3A_143, %mul3A_138 : i32
      %get3A_145 = arith.index_cast %add3A_144 : i32 to index
      %get3A_146 = tpu.vector_load %arg6[%get3A_145] {strides = array<i32>} : memref<13312xf32, #tpu.memory_space<vmem>>, vector<16xf32>,
      %get3A_147 = vector.shape_cast %get3A_146 : vector<16xf32> to vector<16xf32>
      %add3A_148 = arith.addf %get3A_142, %get3A_147 : vector<16xf32>
      %add3A_149 = arith.constant 5120 : i32
      %add3A_150 = arith.addi %add3A_149, %mul3A_138 : i32
      %get3A_151 = arith.index_cast %add3A_150 : i32 to index
      %get3A_152 = tpu.vector_load %arg6[%get3A_151] {strides = array<i32>} : memref<13312xf32, #tpu.memory_space<vmem>>, vector<16xf32>,
      %get3A_153 = vector.shape_cast %get3A_152 : vector<16xf32> to vector<16xf32>
      %add3A_154 = arith.addf %add3A_148, %get3A_153 : vector<16xf32>
      %add3A_155 = arith.constant 5632 : i32
      %add3A_156 = arith.addi %add3A_155, %mul3A_138 : i32
      %get3A_157 = arith.index_cast %add3A_156 : i32 to index
      %get3A_158 = tpu.vector_load %arg6[%get3A_157] {strides = array<i32>} : memref<13312xf32, #tpu.memory_space<vmem>>, vector<16xf32>,
      %get3A_159 = vector.shape_cast %get3A_158 : vector<16xf32> to vector<16xf32>
      %add3A_160 = arith.addf %add3A_154, %get3A_159 : vector<16xf32>
      %add3A_161 = arith.constant 6144 : i32
      %add3A_162 = arith.addi %add3A_161, %mul3A_138 : i32
      %get3A_163 = arith.index_cast %add3A_162 : i32 to index
      %get3A_164 = tpu.vector_load %arg6[%get3A_163] {strides = array<i32>} : memref<13312xf32, #tpu.memory_space<vmem>>, vector<16xf32>,
      %get3A_165 = vector.shape_cast %get3A_164 : vector<16xf32> to vector<16xf32>
      %add3A_166 = arith.addf %add3A_160, %get3A_165 : vector<16xf32>
      %add3A_167 = arith.constant 6656 : i32
      %add3A_168 = arith.addi %add3A_167, %mul3A_138 : i32
      %get3A_169 = arith.index_cast %add3A_168 : i32 to index
      %get3A_170 = tpu.vector_load %arg6[%get3A_169] {strides = array<i32>} : memref<13312xf32, #tpu.memory_space<vmem>>, vector<16xf32>,
      %get3A_171 = vector.shape_cast %get3A_170 : vector<16xf32> to vector<16xf32>
      %add3A_172 = arith.addf %add3A_166, %get3A_171 : vector<16xf32>
      %add3A_173 = arith.constant 7168 : i32
      %add3A_174 = arith.addi %add3A_173, %mul3A_138 : i32
      %get3A_175 = arith.index_cast %add3A_174 : i32 to index
      %get3A_176 = tpu.vector_load %arg6[%get3A_175] {strides = array<i32>} : memref<13312xf32, #tpu.memory_space<vmem>>, vector<16xf32>,
      %get3A_177 = vector.shape_cast %get3A_176 : vector<16xf32> to vector<16xf32>
      %add3A_178 = arith.addf %add3A_172, %get3A_177 : vector<16xf32>
      %add3A_179 = arith.constant 7680 : i32
      %add3A_180 = arith.addi %add3A_179, %mul3A_138 : i32
      %get3A_181 = arith.index_cast %add3A_180 : i32 to index
      %get3A_182 = tpu.vector_load %arg6[%get3A_181] {strides = array<i32>} : memref<13312xf32, #tpu.memory_space<vmem>>, vector<16xf32>,
      %get3A_183 = vector.shape_cast %get3A_182 : vector<16xf32> to vector<16xf32>
      %add3A_184 = arith.addf %add3A_178, %get3A_183 : vector<16xf32>
      %get3A_185 = arith.index_cast %mul3A_138 : i32 to index
      %get3A_186 = tpu.vector_load %arg7[%get3A_185] {strides = array<i32>} : memref<512xf32, #tpu.memory_space<vmem>>, vector<16xf32>,
      %get3A_187 = vector.shape_cast %get3A_186 : vector<16xf32> to vector<16xf32>
      %add3A_188 = arith.addf %add3A_184, %get3A_187 : vector<16xf32>
      %swap3A = arith.index_cast %mul3A_138 : i32 to index
      %swap3A_189 = tpu.vector_load %arg7[%swap3A] {strides = array<i32>} : memref<512xf32, #tpu.memory_space<vmem>>, vector<16xf32>,
      %swap3A_190 = vector.shape_cast %swap3A_189 : vector<16xf32> to vector<16xf32>
      %swap3A_191 = vector.shape_cast %add3A_188 : vector<16xf32> to vector<16xf32>
      tpu.vector_store %arg7[%swap3A], %swap3A_191 {strides = array<i32>} : memref<512xf32, #tpu.memory_space<vmem>>, vector<16xf32>,
    }
    %scan3A_109 = arith.constant 32 : i32
    %dma_wait3A_110 = arith.constant 8192 : i32
    %dma_wait3A_111 = tpu.memref_slice %arg6[%dma_wait3A_110] : memref<13312xf32, #tpu.memory_space<vmem>> -> memref<4096xf32, #tpu.memory_space<vmem>>
    %dma_wait3A_112 = arith.constant 8192 : i32
    %dma_wait3A_113 = tpu.memref_slice %arg5[%dma_wait3A_112] : memref<13312xi32, #tpu.memory_space<vmem>> -> memref<4096xi32, #tpu.memory_space<vmem>>
    %dma_wait3A_114 = arith.constant 0 : i32
    %dma_wait3A_115 = tpu.memref_slice %arg2[%dma_wait3A_114] : memref<1000448xf32, #tpu.memory_space<hbm>> -> memref<1000448xf32, #tpu.memory_space<hbm>>
    tpu.wait_indirect_dma semaphore(%arg12 : memref<!tpu.dma_semaphore, #tpu.memory_space<semaphore_mem>>) src(%dma_wait3A_115 : memref<1000448xf32, #tpu.memory_space<hbm>>) dst(%dma_wait3A_111 : memref<4096xf32, #tpu.memory_space<vmem>>)
    %scan3A_116 = arith.constant 0 : i32
    %scan3A_117 = arith.constant 32 : i32
    %scan3A_118 = arith.addi %scan3A_116, %scan3A_117 : i32
    %scan3A_119 = arith.constant 1 : i32
    scf.for %scan3A_132 = %scan3A_116 to %scan3A_118 step %scan3A_119  : i32 {
      %mul3A_133 = arith.constant 1 : i32
      %mul3A_134 = arith.muli %scan3A_132, %mul3A_133 : i32
      %add3A_135 = arith.constant 0 : i32
      %add3A_136 = arith.addi %add3A_135, %mul3A_134 : i32
      %mul3A_137 = arith.constant 16 : i32
      %mul3A_138 = arith.muli %add3A_136, %mul3A_137 : i32
      %add3A_139 = arith.constant 8192 : i32
      %add3A_140 = arith.addi %add3A_139, %mul3A_138 : i32
      %get3A = arith.index_cast %add3A_140 : i32 to index
      %get3A_141 = tpu.vector_load %arg6[%get3A] {strides = array<i32>} : memref<13312xf32, #tpu.memory_space<vmem>>, vector<16xf32>,
      %get3A_142 = vector.shape_cast %get3A_141 : vector<16xf32> to vector<16xf32>
      %add3A_143 = arith.constant 8704 : i32
      %add3A_144 = arith.addi %add3A_143, %mul3A_138 : i32
      %get3A_145 = arith.index_cast %add3A_144 : i32 to index
      %get3A_146 = tpu.vector_load %arg6[%get3A_145] {strides = array<i32>} : memref<13312xf32, #tpu.memory_space<vmem>>, vector<16xf32>,
      %get3A_147 = vector.shape_cast %get3A_146 : vector<16xf32> to vector<16xf32>
      %add3A_148 = arith.addf %get3A_142, %get3A_147 : vector<16xf32>
      %add3A_149 = arith.constant 9216 : i32
      %add3A_150 = arith.addi %add3A_149, %mul3A_138 : i32
      %get3A_151 = arith.index_cast %add3A_150 : i32 to index
      %get3A_152 = tpu.vector_load %arg6[%get3A_151] {strides = array<i32>} : memref<13312xf32, #tpu.memory_space<vmem>>, vector<16xf32>,
      %get3A_153 = vector.shape_cast %get3A_152 : vector<16xf32> to vector<16xf32>
      %add3A_154 = arith.addf %add3A_148, %get3A_153 : vector<16xf32>
      %add3A_155 = arith.constant 9728 : i32
      %add3A_156 = arith.addi %add3A_155, %mul3A_138 : i32
      %get3A_157 = arith.index_cast %add3A_156 : i32 to index
      %get3A_158 = tpu.vector_load %arg6[%get3A_157] {strides = array<i32>} : memref<13312xf32, #tpu.memory_space<vmem>>, vector<16xf32>,
      %get3A_159 = vector.shape_cast %get3A_158 : vector<16xf32> to vector<16xf32>
      %add3A_160 = arith.addf %add3A_154, %get3A_159 : vector<16xf32>
      %add3A_161 = arith.constant 10240 : i32
      %add3A_162 = arith.addi %add3A_161, %mul3A_138 : i32
      %get3A_163 = arith.index_cast %add3A_162 : i32 to index
      %get3A_164 = tpu.vector_load %arg6[%get3A_163] {strides = array<i32>} : memref<13312xf32, #tpu.memory_space<vmem>>, vector<16xf32>,
      %get3A_165 = vector.shape_cast %get3A_164 : vector<16xf32> to vector<16xf32>
      %add3A_166 = arith.addf %add3A_160, %get3A_165 : vector<16xf32>
      %add3A_167 = arith.constant 10752 : i32
      %add3A_168 = arith.addi %add3A_167, %mul3A_138 : i32
      %get3A_169 = arith.index_cast %add3A_168 : i32 to index
      %get3A_170 = tpu.vector_load %arg6[%get3A_169] {strides = array<i32>} : memref<13312xf32, #tpu.memory_space<vmem>>, vector<16xf32>,
      %get3A_171 = vector.shape_cast %get3A_170 : vector<16xf32> to vector<16xf32>
      %add3A_172 = arith.addf %add3A_166, %get3A_171 : vector<16xf32>
      %add3A_173 = arith.constant 11264 : i32
      %add3A_174 = arith.addi %add3A_173, %mul3A_138 : i32
      %get3A_175 = arith.index_cast %add3A_174 : i32 to index
      %get3A_176 = tpu.vector_load %arg6[%get3A_175] {strides = array<i32>} : memref<13312xf32, #tpu.memory_space<vmem>>, vector<16xf32>,
      %get3A_177 = vector.shape_cast %get3A_176 : vector<16xf32> to vector<16xf32>
      %add3A_178 = arith.addf %add3A_172, %get3A_177 : vector<16xf32>
      %add3A_179 = arith.constant 11776 : i32
      %add3A_180 = arith.addi %add3A_179, %mul3A_138 : i32
      %get3A_181 = arith.index_cast %add3A_180 : i32 to index
      %get3A_182 = tpu.vector_load %arg6[%get3A_181] {strides = array<i32>} : memref<13312xf32, #tpu.memory_space<vmem>>, vector<16xf32>,
      %get3A_183 = vector.shape_cast %get3A_182 : vector<16xf32> to vector<16xf32>
      %add3A_184 = arith.addf %add3A_178, %get3A_183 : vector<16xf32>
      %get3A_185 = arith.index_cast %mul3A_138 : i32 to index
      %get3A_186 = tpu.vector_load %arg7[%get3A_185] {strides = array<i32>} : memref<512xf32, #tpu.memory_space<vmem>>, vector<16xf32>,
      %get3A_187 = vector.shape_cast %get3A_186 : vector<16xf32> to vector<16xf32>
      %add3A_188 = arith.addf %add3A_184, %get3A_187 : vector<16xf32>
      %swap3A = arith.index_cast %mul3A_138 : i32 to index
      %swap3A_189 = tpu.vector_load %arg7[%swap3A] {strides = array<i32>} : memref<512xf32, #tpu.memory_space<vmem>>, vector<16xf32>,
      %swap3A_190 = vector.shape_cast %swap3A_189 : vector<16xf32> to vector<16xf32>
      %swap3A_191 = vector.shape_cast %add3A_188 : vector<16xf32> to vector<16xf32>
      tpu.vector_store %arg7[%swap3A], %swap3A_191 {strides = array<i32>} : memref<512xf32, #tpu.memory_space<vmem>>, vector<16xf32>,
    }
    %scan3A_120 = arith.constant 32 : i32
    %dma_wait3A_121 = arith.constant 12288 : i32
    %dma_wait3A_122 = tpu.memref_slice %arg6[%dma_wait3A_121] : memref<13312xf32, #tpu.memory_space<vmem>> -> memref<1024xf32, #tpu.memory_space<vmem>>
    %dma_wait3A_123 = arith.constant 12288 : i32
    %dma_wait3A_124 = tpu.memref_slice %arg5[%dma_wait3A_123] : memref<13312xi32, #tpu.memory_space<vmem>> -> memref<1024xi32, #tpu.memory_space<vmem>>
    %dma_wait3A_125 = arith.constant 0 : i32
    %dma_wait3A_126 = tpu.memref_slice %arg2[%dma_wait3A_125] : memref<1000448xf32, #tpu.memory_space<hbm>> -> memref<1000448xf32, #tpu.memory_space<hbm>>
    tpu.wait_indirect_dma semaphore(%arg12 : memref<!tpu.dma_semaphore, #tpu.memory_space<semaphore_mem>>) src(%dma_wait3A_126 : memref<1000448xf32, #tpu.memory_space<hbm>>) dst(%dma_wait3A_122 : memref<1024xf32, #tpu.memory_space<vmem>>)
    %scan3A_127 = arith.constant 0 : i32
    %scan3A_128 = arith.constant 32 : i32
    %scan3A_129 = arith.addi %scan3A_127, %scan3A_128 : i32
    %scan3A_130 = arith.constant 1 : i32
    scf.for %scan3A_132 = %scan3A_127 to %scan3A_129 step %scan3A_130  : i32 {
      %mul3A_133 = arith.constant 1 : i32
      %mul3A_134 = arith.muli %scan3A_132, %mul3A_133 : i32
      %add3A_135 = arith.constant 0 : i32
      %add3A_136 = arith.addi %add3A_135, %mul3A_134 : i32
      %mul3A_137 = arith.constant 16 : i32
      %mul3A_138 = arith.muli %add3A_136, %mul3A_137 : i32
      %add3A_139 = arith.constant 12288 : i32
      %add3A_140 = arith.addi %add3A_139, %mul3A_138 : i32
      %get3A = arith.index_cast %add3A_140 : i32 to index
      %get3A_141 = tpu.vector_load %arg6[%get3A] {strides = array<i32>} : memref<13312xf32, #tpu.memory_space<vmem>>, vector<16xf32>,
      %get3A_142 = vector.shape_cast %get3A_141 : vector<16xf32> to vector<16xf32>
      %add3A_143 = arith.constant 12800 : i32
      %add3A_144 = arith.addi %add3A_143, %mul3A_138 : i32
      %get3A_145 = arith.index_cast %add3A_144 : i32 to index
      %get3A_146 = tpu.vector_load %arg6[%get3A_145] {strides = array<i32>} : memref<13312xf32, #tpu.memory_space<vmem>>, vector<16xf32>,
      %get3A_147 = vector.shape_cast %get3A_146 : vector<16xf32> to vector<16xf32>
      %add3A_148 = arith.addf %get3A_142, %get3A_147 : vector<16xf32>
      %get3A_149 = arith.index_cast %mul3A_138 : i32 to index
      %get3A_150 = tpu.vector_load %arg7[%get3A_149] {strides = array<i32>} : memref<512xf32, #tpu.memory_space<vmem>>, vector<16xf32>,
      %get3A_151 = vector.shape_cast %get3A_150 : vector<16xf32> to vector<16xf32>
      %add3A_152 = arith.addf %add3A_148, %get3A_151 : vector<16xf32>
      %swap3A = arith.index_cast %mul3A_138 : i32 to index
      %swap3A_153 = tpu.vector_load %arg7[%swap3A] {strides = array<i32>} : memref<512xf32, #tpu.memory_space<vmem>>, vector<16xf32>,
      %swap3A_154 = vector.shape_cast %swap3A_153 : vector<16xf32> to vector<16xf32>
      %swap3A_155 = vector.shape_cast %add3A_152 : vector<16xf32> to vector<16xf32>
      tpu.vector_store %arg7[%swap3A], %swap3A_155 {strides = array<i32>} : memref<512xf32, #tpu.memory_space<vmem>>, vector<16xf32>,
    }
    %scan3A_131 = arith.constant 32 : i32
    "tpu.region"() ({
      %run_scoped3A = tpu.sem_alloc : memref<!tpu.dma_semaphore, #tpu.memory_space<semaphore_mem>>
      %dma_start3A_132 = tpu.memref_slice %arg4[%mul3A_2] : memref<16384xf32, #tpu.memory_space<hbm>> -> memref<512xf32, #tpu.memory_space<hbm>>
      %dma_start3A_133 = tpu.memref_slice %arg4[%mul3A_2] : memref<16384xf32, #tpu.memory_space<hbm>> -> memref<512xf32, #tpu.memory_space<hbm>>
      tpu.enqueue_dma source(%arg7 : memref<512xf32, #tpu.memory_space<vmem>>) target(%dma_start3A_133 : memref<512xf32, #tpu.memory_space<hbm>>) target_semaphore(%run_scoped3A : memref<!tpu.dma_semaphore, #tpu.memory_space<semaphore_mem>>)
      %dma_wait3A_134 = tpu.memref_slice %arg4[%mul3A_2] : memref<16384xf32, #tpu.memory_space<hbm>> -> memref<512xf32, #tpu.memory_space<hbm>>
      %dma_wait3A_135 = tpu.memref_slice %arg4[%mul3A_2] : memref<16384xf32, #tpu.memory_space<hbm>> -> memref<512xf32, #tpu.memory_space<hbm>>
      tpu.wait_dma2 semaphore(%run_scoped3A : memref<!tpu.dma_semaphore, #tpu.memory_space<semaphore_mem>>) src(%arg7 : memref<512xf32, #tpu.memory_space<vmem>>) dst(%dma_wait3A_135 : memref<512xf32, #tpu.memory_space<hbm>>)
      tpu.yield
    }) : () -> ()
    return
  }
}

</mosaic_0001>

<sc_bundles>
// kernel: kernel.3.cloned.1.call-start
scs
__scs_entry_jumppad:
0x0: {  	(pc) =	sbr.rel $0x88, $3  }
0x1: {  	(tag) =	ssettag $0x0;
	lr =	simm.s32 $0x1  }
0x2: {  	[smem:$0x3F9F] =	sst lr;
	_ =	strace $0xD0000000  }
0x3: {  	_ = 	snop  }
0x4: {  	_ = 	snop  }
0x5: {  	_ = 	snop  }
0x6: {  	_ = 	snop  }
0x7: {  	_ = 	snop  }
__scs_overlays_trampoline_lowered:
0x8: {  	[smem:$0x3FAE] =	sst s0  }
0x9: {  	[smem:$0x3FAF] =	sst s1  }
0xa: {  	[smem:$0x3FB0] =	sst s2  }
0xb: {  	[smem:$0x3FB1] =	sst s3  }
0xc: {  	[smem:$0x3FB2] =	sst s4  }
0xd: {  	[smem:$0x3FB3] =	sst s5  }
0xe: {  	[smem:$0x3FB4] =	sst s6  }
0xf: {  	[smem:$0x3FB5] =	sst s7  }
0x10: {  	[smem:$0x3FB6] =	sst s8  }
0x11: {  	[smem:$0x3FB7] =	sst s9;
	s0 =	simm.s32 @!p0 $0x0  }
0x12: {  	s1 =	sld [smem:$0x3F9D];
	s0 =	simm.s32 @p0 $0x1  }
0x13: {  	[smem:$0x3FB8] =	sst s0;
	s0 =	simm.s32 @!p1 $0x0  }
0x14: {  	s2 =	sld [smem:$0x3F9C];
	s0 =	simm.s32 @p1 $0x1  }
0x15: {  	[smem:$0x3FB9] =	sst s0;
	s0 =	simm.s32 @!p2 $0x0  }
0x16: {  	s3 =	sld [smem:$0x3FDB];
	s0 =	simm.s32 @p2 $0x1  }
0x17: {  	s4 =	simm.s32 $0x1BF5;
	[smem:$0x3FBB] =	sst s0  }
0x18: {  	s0 =	sld [smem:$0x3F9E];
	_ =	swait.ge [sflag:s4], $0x0  }
0x19: {  	s7 =	sld [smem:$0x3F9F]  }
0x1a: {  	s8 =	sadd.s32 $0xFFFFE003, lr  }
0x1b: {  	s9 =	sadd.s32 $0xFFFFFEF7, lr;
	s5 =	simm.s32 $0xFFFFFFFF;
	p2 =	slt.u32 s8, $0xFFFFF086  }
0x1c: {  	p1 =	slt.u32 s9, $0xF7A;
	s5 =	simm.s32 @!p2 $0x0  }
0x1d: {  	s5 =	simm.s32 @p1 $0x1;
	p0 =	seq.s32 s7, s2  }
0x1e: {  	s7 =	smul.u32 @!p0 $0xF7A, s2;
	p2 =	seq.s32 @!p0 s5, $0x0  }
0x1f: {  	s9 =	smul.u32 $0xF7A, s1;
	s8 =	simm.s32 @!p0 $0x1BF5;
	p2 =	por !p2, p0  }
0x20: {  	[sflag:s8] =	ssyncset.s32 @!p0 $0xFFFFF086;
	s6 =	sadd.s32 @!p0 s3, s7;
	s7 =	simm.s32 @!p0 $0x108  }
0x21: {  	s3 =	sadd.s32 s3, s9;
	s6 =	sadd.s32 @!p0 $0x88, s6;
	s7 =	simm.s32 @p2 $0x1082  }
0x22: {  	[simem:s7], [sflag:s8] =	dma.local @!p0 [hbm:s6], $0xF7A  }
0x23: {  	s9 =	sor.u32 $0xD0000000, s2;
	s6 =	simm.s32 $0x108;
	_ =	swait.ge @!p0 [sflag:s8], $0x0  }
0x24: {  	s3 =	sadd.s32 $0x88, s3;
	s6 =	simm.s32 @!p1 $0x1082;
	[sflag:s4] =	ssyncset.s32 $0xFFFFF086  }
0x25: {  	[simem:s6], [sflag:s4] =	dma.local [hbm:s3], $0xF7A  }
0x26: {  	[smem:$0x3F9F] =	sst s1;
	(tag) =	ssettag s2;
	_ =	strace s9  }
0x27: {  	s1 =	sld [smem:$0x3FAF]  }
0x28: {  	s2 =	sld [smem:$0x3FB0]  }
0x29: {  	s4 =	sld [smem:$0x3FB2]  }
0x2a: {  	p0 =	seq.s32 s5, $0x0;
	s5 =	sld [smem:$0x3FB3]  }
0x2b: {  	s6 =	sld [smem:$0x3FB4]  }
0x2c: {  	s7 =	sld [smem:$0x3FB5]  }
0x2d: {  	s3 =	simm.s32 $0x108;
	s8 =	sld [smem:$0x3FB6]  }
0x2e: {  	s3 =	simm.s32 @!p0 $0x1082;
	s9 =	sld [smem:$0x3FB7]  }
0x2f: {  	lr =	sadd.s32 s0, s3;
	s0 =	sld [smem:$0x3FAE]  }
0x30: {  	s3 =	sld [smem:$0x3FB1]  }
0x31: {  	[smem:$0x3FBA] =	sst s10  }
0x32: {  	s10 =	sld [smem:$0x3FB8];
	_ =	sdelay $0x3  }
0x33: {  	p0 =	seq.s32 s10, $0x1;
	s10 =	sld [smem:$0x3FBA];
	_ =	sdelay $0x3  }
0x34: {  	[smem:$0x3FBA] =	sst s10  }
0x35: {  	s10 =	sld [smem:$0x3FB9];
	_ =	sdelay $0x3  }
0x36: {  	p1 =	seq.s32 s10, $0x1;
	s10 =	sld [smem:$0x3FBA];
	_ =	sdelay $0x3  }
0x37: {  	[smem:$0x3FBA] =	sst s10  }
0x38: {  	s10 =	sld [smem:$0x3FBB]  }
0x39: {  	_ = 	snop;
	(pc) =	sbr.ind lr, $3  }
0x3a: {  	_ = 	snop  }
0x3b: {  	_ = 	snop  }
0x3c: {  	p2 =	seq.s32 s10, $0x1;
	s10 =	sld [smem:$0x3FBA]  }
0x3d: {  	_ =	shalt  }
0x3e: {  	_ =	shalt  }
0x3f: {  	_ =	shalt  }
0x40: {  	_ =	shalt  }
0x41: {  	_ =	shalt  }
0x42: {  	_ =	shalt  }
0x43: {  	_ =	shalt  }
0x44: {  	_ =	shalt  }
0x45: {  	_ =	shalt  }
0x46: {  	_ =	shalt  }
0x47: {  	_ =	shalt  }
0x48: {  	_ =	shalt  }
0x49: {  	_ =	shalt  }
0x4a: {  	_ =	shalt  }
0x4b: {  	_ =	shalt  }
0x4c: {  	_ =	shalt  }
0x4d: {  	_ =	shalt  }
0x4e: {  	_ =	shalt  }
0x4f: {  	_ =	shalt  }
0x50: {  	_ =	shalt  }
0x51: {  	_ =	shalt  }
0x52: {  	_ =	shalt  }
0x53: {  	_ =	shalt  }
0x54: {  	_ =	shalt  }
0x55: {  	_ =	shalt  }
0x56: {  	_ =	shalt  }
0x57: {  	_ =	shalt  }
0x58: {  	_ =	shalt  }
0x59: {  	_ =	shalt  }
0x5a: {  	_ =	shalt  }
0x5b: {  	_ =	shalt  }
0x5c: {  	_ =	shalt  }
0x5d: {  	_ =	shalt  }
0x5e: {  	_ =	shalt  }
0x5f: {  	_ =	shalt  }
0x60: {  	_ =	shalt  }
0x61: {  	_ =	shalt  }
0x62: {  	_ =	shalt  }
0x63: {  	_ =	shalt  }
0x64: {  	_ =	shalt  }
0x65: {  	_ =	shalt  }
0x66: {  	_ =	shalt  }
0x67: {  	_ =	shalt  }
0x68: {  	_ =	shalt  }
0x69: {  	_ =	shalt  }
0x6a: {  	_ =	shalt  }
0x6b: {  	_ =	shalt  }
0x6c: {  	_ =	shalt  }
0x6d: {  	_ =	shalt  }
0x6e: {  	_ =	shalt  }
0x6f: {  	_ =	shalt  }
0x70: {  	_ =	shalt  }
0x71: {  	_ =	shalt  }
0x72: {  	_ =	shalt  }
0x73: {  	_ =	shalt  }
0x74: {  	_ =	shalt  }
0x75: {  	_ =	shalt  }
0x76: {  	_ =	shalt  }
0x77: {  	_ =	shalt  }
0x78: {  	_ =	shalt  }
0x79: {  	_ =	shalt  }
0x7a: {  	_ =	shalt  }
0x7b: {  	_ =	shalt  }
0x7c: {  	_ =	shalt  }
0x7d: {  	_ =	shalt  }
0x7e: {  	_ =	shalt  }
0x7f: {  	_ =	shalt  }
0x80: {  	_ =	shalt  }
0x81: {  	_ =	shalt  }
0x82: {  	_ =	shalt  }
0x83: {  	_ =	shalt  }
0x84: {  	_ =	shalt  }
0x85: {  	_ =	shalt  }
0x86: {  	_ =	shalt  }
0x87: {  	_ =	shalt  }
.Lfunc_end0:
.L_simem_size_0:
called_computation_lowered:
.L_overlay_start_0:
0x88: {  	s2 =	sld [smem:$0x3FD9]  }
0x89: {  	s3 =	sld [smem:$0x3FFE];
	_ =	sdelay $0x1  }
0x8a: {  	s1 =	srdreg.scid  }
0x8b: {  	s0 =	sand.u32 $0x1, s1  }
0x8c: {  	s17 =	sshll.u32 s0, $0xA;
	s2 =	sadd.s32 s3, s2  }
0x8d: {  	s2 =	sadd.s32 s2, s17  }
0x8e: {  	[smem:$0x3FC6] =	sst s2  }
0x8f: {  	_ = 	snop  }
0x90: {  	s2 =	sld [smem:$0x3FD0];
	(tm) =	ssettm $0x1  }
0x91: {  	s18 =	sld [smem:$0x3FFB];
	_ =	sdelay $0x3  }
0x92: {  	_ =	strace s18  }
0x93: {  	s3 =	sld [smem:$0x3FFC];
	_ =	sdelay $0x3  }
0x94: {  	_ =	strace s3  }
0x95: {  	s3 =	sld [smem:$0x3FFD];
	_ =	sdelay $0x3  }
0x96: {  	_ =	strace s3  }
0x97: {  	_ =	strace $0x8FFFFFFF  }
0x98: {  	s19 =	sld [smem:$0x3FDB];
	_ =	sdelay $0x1  }
0x99: {  	s4 =	simm.s32 $_scs_section_size  }
0x9a: {  	s5 =	simm.s32 $_size__tile_overlayer_lowered;
	s6 =	simm.s32 $_tile_overlayer_lowered  }
0x9b: {  	s22 =	simm.s32 $0x1BFF;
	s21 =	sshll.u32 s6, $0x1;
	s3 =	sadd.s32 s4, s19  }
0x9c: {  	s7 =	simm.s32 $0x0;
	s20 =	sshll.u32 s5, $0x1;
	s5 =	sadd.s32 s21, s3  }
0x9d: {  	[timem:s7], [sflag:s22] =	dma.local [hbm:s5], s20  }
0x9e: {  	_ =	swait.ge [sflag:s22], s20  }
0x9f: {  	s4 =	ssub.s32 $0x0, s20;
	[sflag:s22] =	ssyncset.done $0x0  }
0xa0: {  	[sflag:s22] =	ssyncadd.s32 s4;
	_ =	sdelay $0x1  }
0xa1: {  	s23 =	simm.s32 $0x1B8B  }
0xa2: {  	_ =	swait.ge [sflag:s23], $0x1  }
0xa3: {  	[sflag:s23] =	ssyncset.done $0x0  }
0xa4: {  	s25 =	simm.s32 $0x1B8E;
	s24 =	sld [smem:$0x3FFE];
	[sflag:s23] =	ssyncadd.s32 $0xFFFFFFFF  }
0xa5: {  	s26 =	simm.s32 $execute0_lowered;
	[smem:$0x3FD2] =	sst s25  }
0xa6: {  	s5 =	sshll.u32 s26, $0x1;
	_ =	strace $0x80000046;
	[dreg:$0x1] =	wrdreg $0xFFFFFFFF  }
0xa7: {  	s28 =	simm.s32 $_size_execute0_lowered;
	s3 =	sadd.s32 s3, s5;
	[dreg:$0x0] =	wrdreg $0x0  }
0xa8: {  	s5 =	sshll.u32 s28, $0x1;
	[dreg:$0x2] =	wrdreg s3  }
0xa9: {  	[dreg:$0x3] =	wrdreg s5  }
0xaa: {  	[dreg:$0x4] =	wrdreg $0xC0  }
0xab: {  	_ =	task [dreg:s7], $0x5FFFF  }
0xac: {  	[dreg:$0x1] =	wrdreg $0xFFFFFFFF  }
0xad: {  	[dreg:$0x0] =	wrdreg $0x60  }
0xae: {  	[dreg:$0x2] =	wrdreg s24  }
0xaf: {  	[dreg:$0x3] =	wrdreg s2  }
0xb0: {  	[dreg:$0x4] =	wrdreg $0x9  }
0xb1: {  	_ =	task.clear_ibuf [dreg:s7], $0x5FFFF;
	_ =	strace $0x90000046  }
0xb2: {  	s29 =	simm.s32 $0x9;
	_ =	strace $0x80000048  }
0xb3: {  	_ =	swait.ge [sflag:s29], $0x1  }
0xb4: {  	[sflag:s29] =	ssyncadd.s32 $0xFFFFFFFF  }
0xb5: {  	_ =	strace $0x90000048  }
0xb6: {  	_ =	sfence  }
0xb7: {  	s30 =	sld [smem:$0x0];
	_ =	sdelay $0x2  }
0xb8: {  	s31 =	sshll.u32 s1, $0xD;
	s1 =	sshrl.u32 s1, $0x2  }
0xb9: {  	s3 =	sand.u32 $0x4000, s31;
	s1 =	sadd.s32 s1, s30  }
0xba: {  	s0 =	sor.u32 s3, s0;
	s1 =	sshll.u32 s1, $0x11  }
0xbb: {  	s0 =	sor.u32 s1, s0  }
0xbc: {  	s0 =	sadd.s32 $0x8F2B, s0  }
0xbd: {  	[sflag:s0] =	ssyncadd.remote.s32 $0x1  }
0xbe: {  	_ =	sfence.sel $0xFFFF  }
0xbf: {  	[dreg:$0x0] =	wrdreg $0xFFFFFFFF;
	(pc) =	sbr.abs _section_cstart, $3  }
0xc0: {  	[dreg:$0x1] =	wrdreg $0xFFFFFFFF  }
0xc1: {  	_ =	task.clear_ibuf [dreg:s7], $0x2FFFF;
	_ =	strace $0x9FFFFFFF  }
0xc2: {  	(tm) =	ssettm $0x7FFFFFFF  }
0xc3: {  	_ =	shalt  }
tec
execute0_lowered:
.L_overlay_start_1:
0x0: {  	(tag) =	ssettag $0x1  }
0x1: {  	s3 =	rddreg [dreg:$0x0]  }
0x2: {  	s1 =	srdreg.scid;
	s0 =	stileid.u32  }
0x3: {  	s8 =	rddreg [dreg:$0x1];
	s2 =	simm.s32 $0x0;
	s12 =	simm.s32 $0x3000  }
0x4: {  	s13 =	simm.s32 $0x1;
	s14 =	simm.s32 $0x2;
	s15 =	simm.s32 $0x4400  }
0x5: {  	s16 =	simm.s32 $0x3;
	s17 =	simm.s32 $0x5400;
	s18 =	simm.s32 $0x4  }
0x6: {  	s19 =	simm.s32 $0x400;
	s20 =	simm.s32 $0x6400;
	s21 =	simm.s32 $0x5  }
0x7: {  	s22 =	simm.s32 $0x6800;
	s23 =	simm.s32 $0x6;
	s24 =	simm.s32 $0x0  }
0x8: {  	s4 =	sand.u32 $0x1, s1;
	s5 =	sshll.u32 s0, $0x1;
	s1 =	rddreg [dreg:$0x2]  }
0x9: {  	[smem:$0x7FF] =	sst s2;
	s7 =	sor.u32 s4, s5;
	s4 =	ssub.s32 $0x2, s4  }
0xa: {  	_ =	strace $0x80000047;
	s5 =	sshll.u32 s7, $0x9;
	s31 =	sshrl.u32 s4, $0x1  }
0xb: {  	s11 =	sshll.u32 s7, $0x6;
	s9 =	sadd.s32 s5, s3;
	s3 =	sadd.s32 $0x10600, s3  }
0xc: {  	s10 =	ssub.s32 s4, s31;
	s8 =	sadd.s32 s8, s11;
	s11 =	simm.s32 $0x2000  }
0xd: {  	s4 =	sadd.s32 $0x600, s9;
	s5 =	sadd.s32 $0x4600, s9;
	s6 =	sadd.s32 $0x8600, s9  }
0xe: {  	s7 =	sadd.s32 $0xC600, s9;
	s9 =	smax.u32 s10, $0x1;
	s10 =	simm.s32 $0x1000  }
.LBB2_1:
0xf: {  	[tilespmem:s2], [sflag:$0x1] =	stream.linear.gather [hbm4b:s4+s2], $0x1000, $0x38;
	[tilespmem:$0x6A00] =	vst v63  }
0x10: {  	_ = 	snop  }
0x11: {  	[tilespmem:s10], [sflag:$0x2] =	stream.linear.gather [hbm4b:s5+s2], $0x1000, $0x38;
	[tilespmem:$0x6A00] =	vst v63  }
0x12: {  	_ = 	snop  }
0x13: {  	[tilespmem:s11], [sflag:$0x3] =	stream.linear.gather [hbm4b:s6+s2], $0x1000, $0x38;
	[tilespmem:$0x6A00] =	vst v63  }
0x14: {  	_ = 	snop  }
0x15: {  	[tilespmem:s12], [sflag:$0x4] =	stream.linear.gather [hbm4b:s7+s2], $0x400, $0x38;
	[tilespmem:$0x6A00] =	vst v63  }
0x16: {  	_ =	swait.ge [sflag:s13], $0x1000  }
0x17: {  	[sflag:s13] =	ssyncset.done $0x0  }
0x18: {  	s25 =	simm.s32 $0x3400;
	[sflag:s13] =	ssyncadd.s32 $0xFFFFF000  }
0x19: {  	[tilespmem:s25], [sflag:$0x5] =	stream.indirect.gather [hbm4b:s3+s10], $0x1, s2, s10, $0xb8;
	[tilespmem:$0x6A00] =	vst v63  }
0x1a: {  	_ =	swait.ge [sflag:s14], $0x1000  }
0x1b: {  	[sflag:s14] =	ssyncset.done $0x0  }
0x1c: {  	[sflag:s14] =	ssyncadd.s32 $0xFFFFF000  }
0x1d: {  	[tilespmem:s15], [sflag:$0x5] =	stream.indirect.gather [hbm4b:s3+s10], $0x1, s10, s10, $0xb8;
	[tilespmem:$0x6A00] =	vst v63  }
0x1e: {  	_ =	swait.ge [sflag:s16], $0x1000  }
0x1f: {  	[sflag:s16] =	ssyncset.done $0x0  }
0x20: {  	[sflag:s16] =	ssyncadd.s32 $0xFFFFF000  }
0x21: {  	[tilespmem:s17], [sflag:$0x5] =	stream.indirect.gather [hbm4b:s3+s10], $0x1, s11, s10, $0xb8;
	[tilespmem:$0x6A00] =	vst v63  }
0x22: {  	_ =	swait.ge [sflag:s18], $0x400  }
0x23: {  	[sflag:s18] =	ssyncset.done $0x0  }
0x24: {  	[sflag:s18] =	ssyncadd.s32 $0xFFFFFC00  }
0x25: {  	[tilespmem:s20], [sflag:$0x5] =	stream.indirect.gather [hbm4b:s3+s19], $0x1, s12, s19, $0xb8;
	[tilespmem:$0x6A00] =	vst v63  }
0x26: {  	_ =	swait.ge [sflag:s21], $0x1000  }
0x27: {  	[sflag:s21] =	ssyncset.done $0x0  }
0x28: {  	s26 =	sand.u32 $0x1F0, s2;
	[sflag:s21] =	ssyncadd.s32 $0xFFFFF000  }
0x29: {  	v0 =	vld [tilespmem:s26+$0x3600]  }
0x2a: {  	v1 =	vld [tilespmem:s25+$0x0];
	_ =	sdelay $0x1  }
0x2b: {  	v2 =	vld [tilespmem:s26+$0x3800];
	_ =	sdelay $0x1  }
0x2c: {  	v3 =	vld [tilespmem:s26+$0x3A00]  }
0x2d: {  	v0 =	vadd.f32 v0, v1  }
0x2e: {  	v1 =	vld [tilespmem:s26+$0x3C00]  }
0x2f: {  	v0 =	vadd.f32 v2, v0  }
0x30: {  	v2 =	vld [tilespmem:s26+$0x3E00]  }
0x31: {  	v0 =	vadd.f32 v3, v0  }
0x32: {  	v3 =	vld [tilespmem:s26+$0x4000]  }
0x33: {  	v0 =	vadd.f32 v1, v0  }
0x34: {  	v1 =	vld [tilespmem:s26+$0x4200]  }
0x35: {  	v0 =	vadd.f32 v2, v0;
	_ =	sdelay $0x1  }
0x36: {  	v0 =	vadd.f32 v3, v0;
	_ =	sdelay $0x1  }
0x37: {  	v0 =	vadd.f32 v1, v0  }
0x38: {  	s31 =	simm.s32 $0x10  }
0x39: {  	s26 =	sand.u32 $0x1F0, s31;
	[tilespmem:s22+$0x0] =	vst v0  }
0x3a: {  	s29 =	simm.s32 $0x20;
	s28 =	simm.s32 $0x3410;
	s25 =	simm.s32 $0x6800;
	v0 =	vld [tilespmem:s26+$0x3600]  }
.LBB2_2:
0x3b: {  	p0 =	sne.s32 s29, $0x1F0;
	v1 =	vld [tilespmem:s28+$0x0];
	_ =	sdelay $0x1  }
0x3c: {  	v2 =	vld [tilespmem:s26+$0x3800];
	_ =	sdelay $0x1  }
0x3d: {  	v3 =	vld [tilespmem:s26+$0x3A00]  }
0x3e: {  	v0 =	vadd.f32 v0, v1  }
0x3f: {  	v1 =	vld [tilespmem:s26+$0x3C00]  }
0x40: {  	v0 =	vadd.f32 v2, v0  }
0x41: {  	v2 =	vld [tilespmem:s26+$0x3E00]  }
0x42: {  	v0 =	vadd.f32 v3, v0  }
0x43: {  	v3 =	vld [tilespmem:s26+$0x4000]  }
0x44: {  	v0 =	vadd.f32 v1, v0  }
0x45: {  	v1 =	vld [tilespmem:s26+$0x4200]  }
0x46: {  	v0 =	vadd.f32 v2, v0;
	_ =	sdelay $0x1  }
0x47: {  	v0 =	vadd.f32 v3, v0  }
.Ltmp0:
0x48: {  	(pc) =	sbr.rel @p0 .LBB2_2-.Ltmp0, $4  }
0x49: {  	v0 =	vadd.f32 v1, v0  }
0x4a: {  	s25 =	sadd.s32 $0x10, s25  }
0x4b: {  	s26 =	sand.u32 $0x1F0, s29;
	[tilespmem:s25+$0x0] =	vst v0  }
0x4c: {  	s28 =	sadd.s32 $0x10, s28;
	s29 =	sadd.s32 $0x10, s29;
	v0 =	vld [tilespmem:s26+$0x3600]  }
0x4d: {  	v1 =	vld [tilespmem:s28+$0x0];
	_ =	sdelay $0x1  }
0x4e: {  	v2 =	vld [tilespmem:s26+$0x3800];
	_ =	sdelay $0x1  }
0x4f: {  	v3 =	vld [tilespmem:s26+$0x3A00]  }
0x50: {  	v0 =	vadd.f32 v0, v1  }
0x51: {  	v1 =	vld [tilespmem:s26+$0x3C00]  }
0x52: {  	v0 =	vadd.f32 v2, v0  }
0x53: {  	v2 =	vld [tilespmem:s26+$0x3E00]  }
0x54: {  	v0 =	vadd.f32 v3, v0  }
0x55: {  	v3 =	vld [tilespmem:s26+$0x4000]  }
0x56: {  	v0 =	vadd.f32 v1, v0  }
0x57: {  	v1 =	vld [tilespmem:s26+$0x4200]  }
0x58: {  	v0 =	vadd.f32 v2, v0;
	_ =	sdelay $0x1  }
0x59: {  	v0 =	vadd.f32 v3, v0;
	_ =	sdelay $0x1  }
0x5a: {  	v0 =	vadd.f32 v1, v0  }
0x5b: {  	s25 =	sadd.s32 $0x10, s25  }
0x5c: {  	[tilespmem:s25+$0x0] =	vst v0  }
0x5d: {  	_ =	swait.ge [sflag:s21], $0x1000  }
0x5e: {  	s30 =	simm.s32 $0x0;
	[sflag:s21] =	ssyncset.done $0x0  }
0x5f: {  	s25 =	sand.u32 $0x1F0, s30;
	[sflag:s21] =	ssyncadd.s32 $0xFFFFF000  }
0x60: {  	v0 =	vld [tilespmem:s25+$0x4600]  }
0x61: {  	v1 =	vld [tilespmem:s25+$0x4400];
	_ =	sdelay $0x1  }
0x62: {  	v2 =	vld [tilespmem:s25+$0x4800];
	_ =	sdelay $0x1  }
0x63: {  	v3 =	vld [tilespmem:s25+$0x4A00]  }
0x64: {  	v0 =	vadd.f32 v0, v1  }
0x65: {  	v1 =	vld [tilespmem:s25+$0x4C00]  }
0x66: {  	v0 =	vadd.f32 v2, v0  }
0x67: {  	v2 =	vld [tilespmem:s25+$0x4E00]  }
0x68: {  	v0 =	vadd.f32 v3, v0  }
0x69: {  	v3 =	vld [tilespmem:s25+$0x5000]  }
0x6a: {  	v0 =	vadd.f32 v1, v0  }
0x6b: {  	v1 =	vld [tilespmem:s25+$0x5200]  }
0x6c: {  	s25 =	simm.s32 $0x6800;
	v0 =	vadd.f32 v2, v0  }
0x6d: {  	v2 =	vld [tilespmem:s25+$0x0]  }
0x6e: {  	v0 =	vadd.f32 v3, v0;
	_ =	sdelay $0x1  }
0x6f: {  	v0 =	vadd.f32 v1, v0;
	_ =	sdelay $0x1  }
0x70: {  	v0 =	vadd.f32 v2, v0  }
0x71: {  	s31 =	simm.s32 $0x10  }
0x72: {  	s28 =	sand.u32 $0x1F0, s31;
	[tilespmem:s25+$0x0] =	vst v0  }
0x73: {  	s26 =	simm.s32 $0x20;
	v0 =	vld [tilespmem:s28+$0x4600]  }
.LBB2_4:
0x74: {  	p0 =	sne.s32 s26, $0x1F0;
	v1 =	vld [tilespmem:s28+$0x4400];
	_ =	sdelay $0x1  }
0x75: {  	v2 =	vld [tilespmem:s28+$0x4800];
	_ =	sdelay $0x1  }
0x76: {  	v3 =	vld [tilespmem:s28+$0x4A00]  }
0x77: {  	v0 =	vadd.f32 v0, v1  }
0x78: {  	v1 =	vld [tilespmem:s28+$0x4C00]  }
0x79: {  	v0 =	vadd.f32 v2, v0  }
0x7a: {  	v2 =	vld [tilespmem:s28+$0x4E00]  }
0x7b: {  	v0 =	vadd.f32 v3, v0  }
0x7c: {  	v3 =	vld [tilespmem:s28+$0x5000]  }
0x7d: {  	v0 =	vadd.f32 v1, v0  }
0x7e: {  	v1 =	vld [tilespmem:s28+$0x5200]  }
0x7f: {  	s25 =	sadd.s32 $0x10, s25;
	v0 =	vadd.f32 v2, v0  }
0x80: {  	v2 =	vld [tilespmem:s25+$0x0]  }
0x81: {  	v0 =	vadd.f32 v3, v0;
	_ =	sdelay $0x1  }
0x82: {  	v0 =	vadd.f32 v1, v0  }
.Ltmp1:
0x83: {  	(pc) =	sbr.rel @p0 .LBB2_4-.Ltmp1, $3  }
0x84: {  	v0 =	vadd.f32 v2, v0;
	_ =	sdelay $0x1  }
0x85: {  	s28 =	sand.u32 $0x1F0, s26;
	[tilespmem:s25+$0x0] =	vst v0  }
0x86: {  	s26 =	sadd.s32 $0x10, s26;
	v0 =	vld [tilespmem:s28+$0x4600]  }
0x87: {  	v1 =	vld [tilespmem:s28+$0x4400];
	_ =	sdelay $0x1  }
0x88: {  	v2 =	vld [tilespmem:s28+$0x4800];
	_ =	sdelay $0x1  }
0x89: {  	v3 =	vld [tilespmem:s28+$0x4A00]  }
0x8a: {  	v0 =	vadd.f32 v0, v1  }
0x8b: {  	v1 =	vld [tilespmem:s28+$0x4C00]  }
0x8c: {  	v0 =	vadd.f32 v2, v0  }
0x8d: {  	v2 =	vld [tilespmem:s28+$0x4E00]  }
0x8e: {  	v0 =	vadd.f32 v3, v0  }
0x8f: {  	v3 =	vld [tilespmem:s28+$0x5000]  }
0x90: {  	v0 =	vadd.f32 v1, v0  }
0x91: {  	v1 =	vld [tilespmem:s28+$0x5200]  }
0x92: {  	s25 =	sadd.s32 $0x10, s25;
	v0 =	vadd.f32 v2, v0  }
0x93: {  	v2 =	vld [tilespmem:s25+$0x0]  }
0x94: {  	v0 =	vadd.f32 v3, v0;
	_ =	sdelay $0x1  }
0x95: {  	v0 =	vadd.f32 v1, v0;
	_ =	sdelay $0x1  }
0x96: {  	v0 =	vadd.f32 v2, v0;
	_ =	sdelay $0x1  }
0x97: {  	[tilespmem:s25+$0x0] =	vst v0  }
0x98: {  	_ =	swait.ge [sflag:s21], $0x1000  }
0x99: {  	s31 =	simm.s32 $0x0;
	[sflag:s21] =	ssyncset.done $0x0  }
0x9a: {  	s25 =	sand.u32 $0x1F0, s31;
	[sflag:s21] =	ssyncadd.s32 $0xFFFFF000  }
0x9b: {  	v0 =	vld [tilespmem:s25+$0x5600]  }
0x9c: {  	v1 =	vld [tilespmem:s25+$0x5400];
	_ =	sdelay $0x1  }
0x9d: {  	v2 =	vld [tilespmem:s25+$0x5800];
	_ =	sdelay $0x1  }
0x9e: {  	v3 =	vld [tilespmem:s25+$0x5A00]  }
0x9f: {  	v0 =	vadd.f32 v0, v1  }
0xa0: {  	v1 =	vld [tilespmem:s25+$0x5C00]  }
0xa1: {  	v0 =	vadd.f32 v2, v0  }
0xa2: {  	v2 =	vld [tilespmem:s25+$0x5E00]  }
0xa3: {  	v0 =	vadd.f32 v3, v0  }
0xa4: {  	v3 =	vld [tilespmem:s25+$0x6000]  }
0xa5: {  	v0 =	vadd.f32 v1, v0  }
0xa6: {  	v1 =	vld [tilespmem:s25+$0x6200]  }
0xa7: {  	s25 =	simm.s32 $0x6800;
	v0 =	vadd.f32 v2, v0  }
0xa8: {  	v2 =	vld [tilespmem:s25+$0x0]  }
0xa9: {  	v0 =	vadd.f32 v3, v0;
	_ =	sdelay $0x1  }
0xaa: {  	v0 =	vadd.f32 v1, v0;
	_ =	sdelay $0x1  }
0xab: {  	v0 =	vadd.f32 v2, v0  }
0xac: {  	s26 =	simm.s32 $0x10  }
0xad: {  	s28 =	sand.u32 $0x1F0, s26;
	[tilespmem:s25+$0x0] =	vst v0  }
0xae: {  	s26 =	simm.s32 $0x20;
	v0 =	vld [tilespmem:s28+$0x5600]  }
.LBB2_6:
0xaf: {  	p0 =	sne.s32 s26, $0x1F0;
	v1 =	vld [tilespmem:s28+$0x5400];
	_ =	sdelay $0x1  }
0xb0: {  	v2 =	vld [tilespmem:s28+$0x5800];
	_ =	sdelay $0x1  }
0xb1: {  	v3 =	vld [tilespmem:s28+$0x5A00]  }
0xb2: {  	v0 =	vadd.f32 v0, v1  }
0xb3: {  	v1 =	vld [tilespmem:s28+$0x5C00]  }
0xb4: {  	v0 =	vadd.f32 v2, v0  }
0xb5: {  	v2 =	vld [tilespmem:s28+$0x5E00]  }
0xb6: {  	v0 =	vadd.f32 v3, v0  }
0xb7: {  	v3 =	vld [tilespmem:s28+$0x6000]  }
0xb8: {  	v0 =	vadd.f32 v1, v0  }
0xb9: {  	v1 =	vld [tilespmem:s28+$0x6200]  }
0xba: {  	s25 =	sadd.s32 $0x10, s25;
	v0 =	vadd.f32 v2, v0  }
0xbb: {  	v2 =	vld [tilespmem:s25+$0x0]  }
0xbc: {  	v0 =	vadd.f32 v3, v0;
	_ =	sdelay $0x1  }
0xbd: {  	v0 =	vadd.f32 v1, v0  }
.Ltmp2:
0xbe: {  	(pc) =	sbr.rel @p0 .LBB2_6-.Ltmp2, $3  }
0xbf: {  	v0 =	vadd.f32 v2, v0;
	_ =	sdelay $0x1  }
0xc0: {  	s28 =	sand.u32 $0x1F0, s26;
	[tilespmem:s25+$0x0] =	vst v0  }
0xc1: {  	s26 =	sadd.s32 $0x10, s26;
	v0 =	vld [tilespmem:s28+$0x5600]  }
0xc2: {  	v1 =	vld [tilespmem:s28+$0x5400];
	_ =	sdelay $0x1  }
0xc3: {  	v2 =	vld [tilespmem:s28+$0x5800];
	_ =	sdelay $0x1  }
0xc4: {  	v3 =	vld [tilespmem:s28+$0x5A00]  }
0xc5: {  	v0 =	vadd.f32 v0, v1  }
0xc6: {  	v1 =	vld [tilespmem:s28+$0x5C00]  }
0xc7: {  	v0 =	vadd.f32 v2, v0  }
0xc8: {  	v2 =	vld [tilespmem:s28+$0x5E00]  }
0xc9: {  	v0 =	vadd.f32 v3, v0  }
0xca: {  	v3 =	vld [tilespmem:s28+$0x6000]  }
0xcb: {  	v0 =	vadd.f32 v1, v0  }
0xcc: {  	v1 =	vld [tilespmem:s28+$0x6200]  }
0xcd: {  	s25 =	sadd.s32 $0x10, s25;
	v0 =	vadd.f32 v2, v0  }
0xce: {  	v2 =	vld [tilespmem:s25+$0x0]  }
0xcf: {  	v0 =	vadd.f32 v3, v0;
	_ =	sdelay $0x1  }
0xd0: {  	v0 =	vadd.f32 v1, v0;
	_ =	sdelay $0x1  }
0xd1: {  	v0 =	vadd.f32 v2, v0;
	_ =	sdelay $0x1  }
0xd2: {  	[tilespmem:s25+$0x0] =	vst v0  }
0xd3: {  	_ =	swait.ge [sflag:s21], $0x400  }
0xd4: {  	s31 =	simm.s32 $0x0;
	[sflag:s21] =	ssyncset.done $0x0  }
0xd5: {  	s25 =	sand.u32 $0x1F0, s31;
	[sflag:s21] =	ssyncadd.s32 $0xFFFFFC00  }
0xd6: {  	v0 =	vld [tilespmem:s25+$0x6600]  }
0xd7: {  	v1 =	vld [tilespmem:s25+$0x6400]  }
0xd8: {  	s25 =	simm.s32 $0x6800  }
0xd9: {  	v2 =	vld [tilespmem:s25+$0x0];
	_ =	sdelay $0x2  }
0xda: {  	v0 =	vadd.f32 v0, v1;
	_ =	sdelay $0x1  }
0xdb: {  	v0 =	vadd.f32 v2, v0  }
0xdc: {  	s26 =	simm.s32 $0x10  }
0xdd: {  	s28 =	sand.u32 $0x1F0, s26;
	[tilespmem:s25+$0x0] =	vst v0  }
0xde: {  	s26 =	simm.s32 $0x20;
	v0 =	vld [tilespmem:s28+$0x6600]  }
.LBB2_8:
0xdf: {  	p0 =	sne.s32 s26, $0x1F0;
	v1 =	vld [tilespmem:s28+$0x6400]  }
0xe0: {  	s25 =	sadd.s32 $0x10, s25  }
0xe1: {  	v2 =	vld [tilespmem:s25+$0x0];
	_ =	sdelay $0x2  }
0xe2: {  	v0 =	vadd.f32 v0, v1  }
.Ltmp3:
0xe3: {  	(pc) =	sbr.rel @p0 .LBB2_8-.Ltmp3, $3  }
0xe4: {  	v0 =	vadd.f32 v2, v0;
	_ =	sdelay $0x1  }
0xe5: {  	s28 =	sand.u32 $0x1F0, s26;
	[tilespmem:s25+$0x0] =	vst v0  }
0xe6: {  	s26 =	sadd.s32 $0x10, s26;
	v0 =	vld [tilespmem:s28+$0x6600]  }
0xe7: {  	v1 =	vld [tilespmem:s28+$0x6400]  }
0xe8: {  	s25 =	sadd.s32 $0x10, s25  }
0xe9: {  	v2 =	vld [tilespmem:s25+$0x0];
	_ =	sdelay $0x2  }
0xea: {  	v0 =	vadd.f32 v0, v1;
	_ =	sdelay $0x1  }
0xeb: {  	s24 =	sadd.s32 $0x1, s24;
	v0 =	vadd.f32 v2, v0  }
0xec: {  	p0 =	sne.s32 s24, s9  }
.Ltmp4:
0xed: {  	[tilespmem:s25+$0x0] =	vst v0;
	(pc) =	sbr.rel @p0 .LBB2_1-.Ltmp4, $4  }
0xee: {  	[hbm4b:s8+s2] =	stream.linear.scatter [tilespmem:s22], [sflag:$0x6], $0x200, $0x38;
	[tilespmem:$0x6A00] =	vst v63  }
0xef: {  	_ =	swait.ge [sflag:s23], $0x200  }
0xf0: {  	[sflag:s23] =	ssyncset.done $0x0  }
0xf1: {  	[sflag:s23] =	ssyncadd.s32 $0xFFFFFE00  }
0xf2: {  	_ =	sfence.sel $0x180000  }
0xf3: {  	[bflag:$0x0] =	sbarrier.arrive $0xFFFF  }
0xf4: {  	p0 =	sne.s32 s0, $0x0;
	_ =	strace $0x90000047  }
0xf5: {  	s0 =	sadd.s32 @!p0 $0x100000, s1;
	[bflag:$0x2] =	sbarrier.arrive $0xFFFF  }
0xf6: {  	[sflag:s0] =	ssyncadd.tile.s32 @!p0 $0x1;
	_ =	shalt  }
.Lfunc_end2:
_tile_overlayer_lowered:
.L_overlay_start_2:
0xf7: {  	(tag) =	ssettag $0x2  }
0xf8: {  	s0 =	rddreg [dreg:$0x0];
	s2 =	stileid.u32  }
0xf9: {  	s1 =	rddreg [dreg:$0x1];
	p0 =	sne.s32 s2, $0x0  }
0xfa: {  	s3 =	rddreg [dreg:$0x2];
	[bflag:$0x3] =	sbarrier.arrive $0xFFFF;
	s2 =	simm.s32 @!p0 $0x1C06  }
0xfb: {  	[timem:s3], [sflag:s2] =	dma.local @!p0 [hbm:s0], s1  }
0xfc: {  	s0 =	simm.s32 @!p0 $0x6  }
0xfd: {  	_ =	swait.ge @!p0 [sflag:s0], s1  }
0xfe: {  	s1 =	ssub.s32 @!p0 $0x0, s1;
	[sflag:s0] =	ssyncset.done @!p0 $0x0  }
0xff: {  	[sflag:s0] =	ssyncadd.s32 @!p0 s1  }
0x100: {  	[bflag:$0x3] =	sbarrier.arrive $0xFFFF  }
0x101: {  	_ =	shalt  }

</sc_bundles>
